<compile_context>
chip_gen: v7x
topology: tpu7x:2x2x1
jax: 0.10.2.dev20260603
libtpu: 0.0.44.dev20260713+nightly
codegen_flags: <defaults>
</compile_context>

<pallas_src>
import jax
import jax.numpy as jnp
from jax import lax
from jax.experimental import pallas as pl
from jax.experimental.pallas import tpu as pltpu
from jax.experimental.pallas import tpu_sc as plsc

EPS = 1e-10
B = 128
V = 100000
BV = 8192
NV = (V + BV - 1) // BV

NC, NS = 2, 16
NW = NC * NS
TOTAL = V * B
PER_W = TOTAL // NW
CHUNK = 40_000
NCHUNK = PER_W // CHUNK


def _zero_body(out_ref, zbuf, sem):
    wid = lax.axis_index("s") * NC + lax.axis_index("c")

    def zinit(i, carry):
        zbuf[pl.ds(i * 16, 16)] = jnp.zeros((16,), jnp.float32)
        return carry

    lax.fori_loop(0, CHUNK // 16, zinit, 0)
    base = wid * PER_W
    copies = [
        pltpu.make_async_copy(zbuf, out_ref.at[pl.ds(base + j * CHUNK, CHUNK)], sem)
        for j in range(NCHUNK)
    ]
    for c in copies:
        c.start()
    for c in copies:
        c.wait()


def _sc_zero_fill():
    f = pl.kernel(
        _zero_body,
        out_type=jax.ShapeDtypeStruct((TOTAL,), jnp.float32),
        mesh=plsc.VectorSubcoreMesh(core_axis_name="c", subcore_axis_name="s"),
        scratch_types=[
            pltpu.VMEM((CHUNK,), jnp.float32),
            pltpu.SemaphoreType.DMA,
        ],
    )
    return f()


def _reduce_body(lt_ref, ut_ref, idx_ref, m_ref):
    i = pl.program_id(0)
    z = lt_ref[...] - jnp.log(-jnp.log(ut_ref[...] + EPS) + EPS)
    row = jax.lax.broadcasted_iota(jnp.int32, z.shape, 0) + i * BV
    z = jnp.where(row < V, z, -jnp.inf)
    bmax = jnp.max(z, axis=0, keepdims=True)
    bidx = jnp.min(jnp.where(z == bmax, row, V), axis=0, keepdims=True)

    @pl.when(i == 0)
    def _():
        m_ref[...] = bmax
        idx_ref[...] = bidx

    @pl.when(i != 0)
    def _():
        better = bmax > m_ref[...]
        m_ref[...] = jnp.where(better, bmax, m_ref[...])
        idx_ref[...] = jnp.where(better, bidx, idx_ref[...])


def _scatter_body(idx_s, idxv_ref, zin_ref, out_ref, w_ref, sem):
    del zin_ref
    idxv = idxv_ref[...]

    def build(r, carry):
        w_ref[pl.ds(r, 1), :] = (idxv == idx_s[r]).astype(jnp.float32)
        return carry

    lax.fori_loop(0, B, build, 0)

    def fire(r, carry):
        j = idx_s[r]
        pltpu.make_async_copy(
            w_ref.at[pl.ds(r, 1), :], out_ref.at[pl.ds(j, 1), :], sem
        ).start()
        return carry

    lax.fori_loop(0, B, fire, 0)
    pltpu.make_async_copy(out_ref.at[pl.ds(0, B), :], w_ref, sem).wait()


def kernel(logits, u):
    z = _sc_zero_fill().reshape(V, B)
    idx = pl.pallas_call(
        _reduce_body,
        grid=(NV,),
        in_specs=[
            pl.BlockSpec((BV, B), lambda i: (i, 0)),
            pl.BlockSpec((BV, B), lambda i: (i, 0)),
        ],
        out_specs=pl.BlockSpec((1, B), lambda i: (0, 0)),
        out_shape=jax.ShapeDtypeStruct((1, B), jnp.int32),
        scratch_shapes=[pltpu.VMEM((1, B), jnp.float32)],
    )(logits.T, u.T)

    out_t = pl.pallas_call(
        _scatter_body,
        grid_spec=pltpu.PrefetchScalarGridSpec(
            num_scalar_prefetch=1,
            grid=(1,),
            in_specs=[
                pl.BlockSpec((1, B), lambda i, s: (0, 0)),
                pl.BlockSpec(memory_space=pl.ANY),
            ],
            out_specs=pl.BlockSpec(memory_space=pl.ANY),
            scratch_shapes=[
                pltpu.VMEM((B, B), jnp.float32),
                pltpu.SemaphoreType.DMA,
            ],
        ),
        out_shape=jax.ShapeDtypeStruct((V, B), jnp.float32),
        input_output_aliases={2: 0},
    )(idx.reshape(B), idx, z)
    return out_t.T

# --- scband reference (transcript-rebuilt; emitter-appended) ---
"""Pipeline reference for scband-gumbel-softmax-79706003079183 (READ-ONLY COPY).

The authoritative reference and input builder live on the scoring server;
editing this copy changes nothing except your own understanding.
"""

import jax, jax.numpy as jnp
import numpy as np

TAU = 1.0
HARD = True
EPS = 1e-10
B = 128
V = 100000


def setup_inputs(seed: int = 0) -> dict:
    key = jax.random.key(seed)
    k1, k2 = jax.random.split(key)
    logits = jax.random.normal(k1, (B, V), dtype=jnp.float32)
    # Uniform noise for the Gumbel trick, materialized as an input so the
    # computation is deterministic (torch uses torch.rand internally).
    u = jax.random.uniform(k2, (B, V), dtype=jnp.float32)
    return {"logits": logits, "u": u}


def reference(logits, u):
    # sample_gumbel
    gumbels = -jnp.log(-jnp.log(u + EPS) + EPS)
    y = (logits + gumbels) / TAU
    y_soft = jax.nn.softmax(y, axis=-1)
    if HARD:
        index = jnp.argmax(y_soft, axis=-1)  # [B]
        rows = jnp.arange(logits.shape[0])
        # scatter-overwrite one-hot, mirrors torch.zeros_like().scatter_(dim, index, 1.0)
        y_hard = jnp.zeros_like(logits).at[rows, index].set(1.0)
        # straight-through estimator
        return y_hard - jax.lax.stop_gradient(y_soft) + y_soft
    else:
        return y_soft

if __name__ == "__main__":
    import jax
    _d = setup_inputs()
    print(jax.jit(kernel)(*tuple(_d.values())))

</pallas_src>

<mosaic_0001>
#map = affine_map<(d0, d1) -> (0)>
module attributes {stable_mosaic.version = 14 : i64} {
  func.func @_zero_body(%arg0: i32, %arg1: i32, %arg2: memref<12800000xf32, #tpu.memory_space<hbm>>, %arg3: memref<40000xf32, #tpu.memory_space<vmem>>, %arg4: memref<!tpu.dma_semaphore, #tpu.memory_space<semaphore_mem>>) attributes {dimension_semantics = [#tpu.dimension_semantics<core_parallel>, #tpu.dimension_semantics<subcore_parallel>], iteration_bounds = array<i64: 2, 16>, scalar_prefetch = 0 : i64, scratch_operands = 2 : i64, tpu.core_type = #tpu.core_type<sc_vector_subcore>, window_params = [{transform_indices = #map}]} {
    %mul3A = arith.constant 2 : i32
    %mul3A_0 = arith.muli %arg1, %mul3A : i32
    %add3A = arith.addi %mul3A_0, %arg0 : i32
    %scan3A = arith.constant 0 : i32
    %scan3A_1 = arith.constant 0 : i32
    %scan3A_2 = arith.constant 2500 : i32
    %scan3A_3 = arith.addi %scan3A_1, %scan3A_2 : i32
    %scan3A_4 = arith.constant 1 : i32
    scf.for %scan3A_66 = %scan3A_1 to %scan3A_3 step %scan3A_4  : i32 {
      %broadcast_in_dim3A = arith.constant 0.000000e+00 : f32
      %broadcast_in_dim3A_67 = vector.broadcast %broadcast_in_dim3A : f32 to vector<16xf32>
      %mul3A_68 = arith.constant 16 : i32
      %mul3A_69 = arith.muli %scan3A_66, %mul3A_68 : i32
      %swap3A = arith.index_cast %mul3A_69 : i32 to index
      %swap3A_70 = tpu.vector_load %arg3[%swap3A] {strides = array<i32>} : memref<40000xf32, #tpu.memory_space<vmem>>, vector<16xf32>,
      %swap3A_71 = vector.shape_cast %swap3A_70 : vector<16xf32> to vector<16xf32>
      %swap3A_72 = vector.shape_cast %broadcast_in_dim3A_67 : vector<16xf32> to vector<16xf32>
      tpu.vector_store %arg3[%swap3A], %swap3A_72 {strides = array<i32>} : memref<40000xf32, #tpu.memory_space<vmem>>, vector<16xf32>,
    }
    %scan3A_5 = arith.constant 2500 : i32
    %mul3A_6 = arith.constant 400000 : i32
    %mul3A_7 = arith.muli %add3A, %mul3A_6 : i32
    %add3A_8 = arith.constant 0 : i32
    %add3A_9 = arith.addi %mul3A_7, %add3A_8 : i32
    %add3A_10 = arith.constant 40000 : i32
    %add3A_11 = arith.addi %mul3A_7, %add3A_10 : i32
    %add3A_12 = arith.constant 80000 : i32
    %add3A_13 = arith.addi %mul3A_7, %add3A_12 : i32
    %add3A_14 = arith.constant 120000 : i32
    %add3A_15 = arith.addi %mul3A_7, %add3A_14 : i32
    %add3A_16 = arith.constant 160000 : i32
    %add3A_17 = arith.addi %mul3A_7, %add3A_16 : i32
    %add3A_18 = arith.constant 200000 : i32
    %add3A_19 = arith.addi %mul3A_7, %add3A_18 : i32
    %add3A_20 = arith.constant 240000 : i32
    %add3A_21 = arith.addi %mul3A_7, %add3A_20 : i32
    %add3A_22 = arith.constant 280000 : i32
    %add3A_23 = arith.addi %mul3A_7, %add3A_22 : i32
    %add3A_24 = arith.constant 320000 : i32
    %add3A_25 = arith.addi %mul3A_7, %add3A_24 : i32
    %add3A_26 = arith.constant 360000 : i32
    %add3A_27 = arith.addi %mul3A_7, %add3A_26 : i32
    %dma_start3A = tpu.memref_slice %arg2[%add3A_9] : memref<12800000xf32, #tpu.memory_space<hbm>> -> memref<40000xf32, #tpu.memory_space<hbm>>
    %dma_start3A_28 = tpu.memref_slice %arg2[%add3A_9] : memref<12800000xf32, #tpu.memory_space<hbm>> -> memref<40000xf32, #tpu.memory_space<hbm>>
    tpu.enqueue_dma source(%arg3 : memref<40000xf32, #tpu.memory_space<vmem>>) target(%dma_start3A_28 : memref<40000xf32, #tpu.memory_space<hbm>>) target_semaphore(%arg4 : memref<!tpu.dma_semaphore, #tpu.memory_space<semaphore_mem>>)
    %dma_start3A_29 = tpu.memref_slice %arg2[%add3A_11] : memref<12800000xf32, #tpu.memory_space<hbm>> -> memref<40000xf32, #tpu.memory_space<hbm>>
    %dma_start3A_30 = tpu.memref_slice %arg2[%add3A_11] : memref<12800000xf32, #tpu.memory_space<hbm>> -> memref<40000xf32, #tpu.memory_space<hbm>>
    tpu.enqueue_dma source(%arg3 : memref<40000xf32, #tpu.memory_space<vmem>>) target(%dma_start3A_30 : memref<40000xf32, #tpu.memory_space<hbm>>) target_semaphore(%arg4 : memref<!tpu.dma_semaphore, #tpu.memory_space<semaphore_mem>>)
    %dma_start3A_31 = tpu.memref_slice %arg2[%add3A_13] : memref<12800000xf32, #tpu.memory_space<hbm>> -> memref<40000xf32, #tpu.memory_space<hbm>>
    %dma_start3A_32 = tpu.memref_slice %arg2[%add3A_13] : memref<12800000xf32, #tpu.memory_space<hbm>> -> memref<40000xf32, #tpu.memory_space<hbm>>
    tpu.enqueue_dma source(%arg3 : memref<40000xf32, #tpu.memory_space<vmem>>) target(%dma_start3A_32 : memref<40000xf32, #tpu.memory_space<hbm>>) target_semaphore(%arg4 : memref<!tpu.dma_semaphore, #tpu.memory_space<semaphore_mem>>)
    %dma_start3A_33 = tpu.memref_slice %arg2[%add3A_15] : memref<12800000xf32, #tpu.memory_space<hbm>> -> memref<40000xf32, #tpu.memory_space<hbm>>
    %dma_start3A_34 = tpu.memref_slice %arg2[%add3A_15] : memref<12800000xf32, #tpu.memory_space<hbm>> -> memref<40000xf32, #tpu.memory_space<hbm>>
    tpu.enqueue_dma source(%arg3 : memref<40000xf32, #tpu.memory_space<vmem>>) target(%dma_start3A_34 : memref<40000xf32, #tpu.memory_space<hbm>>) target_semaphore(%arg4 : memref<!tpu.dma_semaphore, #tpu.memory_space<semaphore_mem>>)
    %dma_start3A_35 = tpu.memref_slice %arg2[%add3A_17] : memref<12800000xf32, #tpu.memory_space<hbm>> -> memref<40000xf32, #tpu.memory_space<hbm>>
    %dma_start3A_36 = tpu.memref_slice %arg2[%add3A_17] : memref<12800000xf32, #tpu.memory_space<hbm>> -> memref<40000xf32, #tpu.memory_space<hbm>>
    tpu.enqueue_dma source(%arg3 : memref<40000xf32, #tpu.memory_space<vmem>>) target(%dma_start3A_36 : memref<40000xf32, #tpu.memory_space<hbm>>) target_semaphore(%arg4 : memref<!tpu.dma_semaphore, #tpu.memory_space<semaphore_mem>>)
    %dma_start3A_37 = tpu.memref_slice %arg2[%add3A_19] : memref<12800000xf32, #tpu.memory_space<hbm>> -> memref<40000xf32, #tpu.memory_space<hbm>>
    %dma_start3A_38 = tpu.memref_slice %arg2[%add3A_19] : memref<12800000xf32, #tpu.memory_space<hbm>> -> memref<40000xf32, #tpu.memory_space<hbm>>
    tpu.enqueue_dma source(%arg3 : memref<40000xf32, #tpu.memory_space<vmem>>) target(%dma_start3A_38 : memref<40000xf32, #tpu.memory_space<hbm>>) target_semaphore(%arg4 : memref<!tpu.dma_semaphore, #tpu.memory_space<semaphore_mem>>)
    %dma_start3A_39 = tpu.memref_slice %arg2[%add3A_21] : memref<12800000xf32, #tpu.memory_space<hbm>> -> memref<40000xf32, #tpu.memory_space<hbm>>
    %dma_start3A_40 = tpu.memref_slice %arg2[%add3A_21] : memref<12800000xf32, #tpu.memory_space<hbm>> -> memref<40000xf32, #tpu.memory_space<hbm>>
    tpu.enqueue_dma source(%arg3 : memref<40000xf32, #tpu.memory_space<vmem>>) target(%dma_start3A_40 : memref<40000xf32, #tpu.memory_space<hbm>>) target_semaphore(%arg4 : memref<!tpu.dma_semaphore, #tpu.memory_space<semaphore_mem>>)
    %dma_start3A_41 = tpu.memref_slice %arg2[%add3A_23] : memref<12800000xf32, #tpu.memory_space<hbm>> -> memref<40000xf32, #tpu.memory_space<hbm>>
    %dma_start3A_42 = tpu.memref_slice %arg2[%add3A_23] : memref<12800000xf32, #tpu.memory_space<hbm>> -> memref<40000xf32, #tpu.memory_space<hbm>>
    tpu.enqueue_dma source(%arg3 : memref<40000xf32, #tpu.memory_space<vmem>>) target(%dma_start3A_42 : memref<40000xf32, #tpu.memory_space<hbm>>) target_semaphore(%arg4 : memref<!tpu.dma_semaphore, #tpu.memory_space<semaphore_mem>>)
    %dma_start3A_43 = tpu.memref_slice %arg2[%add3A_25] : memref<12800000xf32, #tpu.memory_space<hbm>> -> memref<40000xf32, #tpu.memory_space<hbm>>
    %dma_start3A_44 = tpu.memref_slice %arg2[%add3A_25] : memref<12800000xf32, #tpu.memory_space<hbm>> -> memref<40000xf32, #tpu.memory_space<hbm>>
    tpu.enqueue_dma source(%arg3 : memref<40000xf32, #tpu.memory_space<vmem>>) target(%dma_start3A_44 : memref<40000xf32, #tpu.memory_space<hbm>>) target_semaphore(%arg4 : memref<!tpu.dma_semaphore, #tpu.memory_space<semaphore_mem>>)
    %dma_start3A_45 = tpu.memref_slice %arg2[%add3A_27] : memref<12800000xf32, #tpu.memory_space<hbm>> -> memref<40000xf32, #tpu.memory_space<hbm>>
    %dma_start3A_46 = tpu.memref_slice %arg2[%add3A_27] : memref<12800000xf32, #tpu.memory_space<hbm>> -> memref<40000xf32, #tpu.memory_space<hbm>>
    tpu.enqueue_dma source(%arg3 : memref<40000xf32, #tpu.memory_space<vmem>>) target(%dma_start3A_46 : memref<40000xf32, #tpu.memory_space<hbm>>) target_semaphore(%arg4 : memref<!tpu.dma_semaphore, #tpu.memory_space<semaphore_mem>>)
    %dma_wait3A = tpu.memref_slice %arg2[%add3A_9] : memref<12800000xf32, #tpu.memory_space<hbm>> -> memref<40000xf32, #tpu.memory_space<hbm>>
    %dma_wait3A_47 = tpu.memref_slice %arg2[%add3A_9] : memref<12800000xf32, #tpu.memory_space<hbm>> -> memref<40000xf32, #tpu.memory_space<hbm>>
    tpu.wait_dma2 semaphore(%arg4 : memref<!tpu.dma_semaphore, #tpu.memory_space<semaphore_mem>>) src(%arg3 : memref<40000xf32, #tpu.memory_space<vmem>>) dst(%dma_wait3A_47 : memref<40000xf32, #tpu.memory_space<hbm>>)
    %dma_wait3A_48 = tpu.memref_slice %arg2[%add3A_11] : memref<12800000xf32, #tpu.memory_space<hbm>> -> memref<40000xf32, #tpu.memory_space<hbm>>
    %dma_wait3A_49 = tpu.memref_slice %arg2[%add3A_11] : memref<12800000xf32, #tpu.memory_space<hbm>> -> memref<40000xf32, #tpu.memory_space<hbm>>
    tpu.wait_dma2 semaphore(%arg4 : memref<!tpu.dma_semaphore, #tpu.memory_space<semaphore_mem>>) src(%arg3 : memref<40000xf32, #tpu.memory_space<vmem>>) dst(%dma_wait3A_49 : memref<40000xf32, #tpu.memory_space<hbm>>)
    %dma_wait3A_50 = tpu.memref_slice %arg2[%add3A_13] : memref<12800000xf32, #tpu.memory_space<hbm>> -> memref<40000xf32, #tpu.memory_space<hbm>>
    %dma_wait3A_51 = tpu.memref_slice %arg2[%add3A_13] : memref<12800000xf32, #tpu.memory_space<hbm>> -> memref<40000xf32, #tpu.memory_space<hbm>>
    tpu.wait_dma2 semaphore(%arg4 : memref<!tpu.dma_semaphore, #tpu.memory_space<semaphore_mem>>) src(%arg3 : memref<40000xf32, #tpu.memory_space<vmem>>) dst(%dma_wait3A_51 : memref<40000xf32, #tpu.memory_space<hbm>>)
    %dma_wait3A_52 = tpu.memref_slice %arg2[%add3A_15] : memref<12800000xf32, #tpu.memory_space<hbm>> -> memref<40000xf32, #tpu.memory_space<hbm>>
    %dma_wait3A_53 = tpu.memref_slice %arg2[%add3A_15] : memref<12800000xf32, #tpu.memory_space<hbm>> -> memref<40000xf32, #tpu.memory_space<hbm>>
    tpu.wait_dma2 semaphore(%arg4 : memref<!tpu.dma_semaphore, #tpu.memory_space<semaphore_mem>>) src(%arg3 : memref<40000xf32, #tpu.memory_space<vmem>>) dst(%dma_wait3A_53 : memref<40000xf32, #tpu.memory_space<hbm>>)
    %dma_wait3A_54 = tpu.memref_slice %arg2[%add3A_17] : memref<12800000xf32, #tpu.memory_space<hbm>> -> memref<40000xf32, #tpu.memory_space<hbm>>
    %dma_wait3A_55 = tpu.memref_slice %arg2[%add3A_17] : memref<12800000xf32, #tpu.memory_space<hbm>> -> memref<40000xf32, #tpu.memory_space<hbm>>
    tpu.wait_dma2 semaphore(%arg4 : memref<!tpu.dma_semaphore, #tpu.memory_space<semaphore_mem>>) src(%arg3 : memref<40000xf32, #tpu.memory_space<vmem>>) dst(%dma_wait3A_55 : memref<40000xf32, #tpu.memory_space<hbm>>)
    %dma_wait3A_56 = tpu.memref_slice %arg2[%add3A_19] : memref<12800000xf32, #tpu.memory_space<hbm>> -> memref<40000xf32, #tpu.memory_space<hbm>>
    %dma_wait3A_57 = tpu.memref_slice %arg2[%add3A_19] : memref<12800000xf32, #tpu.memory_space<hbm>> -> memref<40000xf32, #tpu.memory_space<hbm>>
    tpu.wait_dma2 semaphore(%arg4 : memref<!tpu.dma_semaphore, #tpu.memory_space<semaphore_mem>>) src(%arg3 : memref<40000xf32, #tpu.memory_space<vmem>>) dst(%dma_wait3A_57 : memref<40000xf32, #tpu.memory_space<hbm>>)
    %dma_wait3A_58 = tpu.memref_slice %arg2[%add3A_21] : memref<12800000xf32, #tpu.memory_space<hbm>> -> memref<40000xf32, #tpu.memory_space<hbm>>
    %dma_wait3A_59 = tpu.memref_slice %arg2[%add3A_21] : memref<12800000xf32, #tpu.memory_space<hbm>> -> memref<40000xf32, #tpu.memory_space<hbm>>
    tpu.wait_dma2 semaphore(%arg4 : memref<!tpu.dma_semaphore, #tpu.memory_space<semaphore_mem>>) src(%arg3 : memref<40000xf32, #tpu.memory_space<vmem>>) dst(%dma_wait3A_59 : memref<40000xf32, #tpu.memory_space<hbm>>)
    %dma_wait3A_60 = tpu.memref_slice %arg2[%add3A_23] : memref<12800000xf32, #tpu.memory_space<hbm>> -> memref<40000xf32, #tpu.memory_space<hbm>>
    %dma_wait3A_61 = tpu.memref_slice %arg2[%add3A_23] : memref<12800000xf32, #tpu.memory_space<hbm>> -> memref<40000xf32, #tpu.memory_space<hbm>>
    tpu.wait_dma2 semaphore(%arg4 : memref<!tpu.dma_semaphore, #tpu.memory_space<semaphore_mem>>) src(%arg3 : memref<40000xf32, #tpu.memory_space<vmem>>) dst(%dma_wait3A_61 : memref<40000xf32, #tpu.memory_space<hbm>>)
    %dma_wait3A_62 = tpu.memref_slice %arg2[%add3A_25] : memref<12800000xf32, #tpu.memory_space<hbm>> -> memref<40000xf32, #tpu.memory_space<hbm>>
    %dma_wait3A_63 = tpu.memref_slice %arg2[%add3A_25] : memref<12800000xf32, #tpu.memory_space<hbm>> -> memref<40000xf32, #tpu.memory_space<hbm>>
    tpu.wait_dma2 semaphore(%arg4 : memref<!tpu.dma_semaphore, #tpu.memory_space<semaphore_mem>>) src(%arg3 : memref<40000xf32, #tpu.memory_space<vmem>>) dst(%dma_wait3A_63 : memref<40000xf32, #tpu.memory_space<hbm>>)
    %dma_wait3A_64 = tpu.memref_slice %arg2[%add3A_27] : memref<12800000xf32, #tpu.memory_space<hbm>> -> memref<40000xf32, #tpu.memory_space<hbm>>
    %dma_wait3A_65 = tpu.memref_slice %arg2[%add3A_27] : memref<12800000xf32, #tpu.memory_space<hbm>> -> memref<40000xf32, #tpu.memory_space<hbm>>
    tpu.wait_dma2 semaphore(%arg4 : memref<!tpu.dma_semaphore, #tpu.memory_space<semaphore_mem>>) src(%arg3 : memref<40000xf32, #tpu.memory_space<vmem>>) dst(%dma_wait3A_65 : memref<40000xf32, #tpu.memory_space<hbm>>)
    return
  }
}

module attributes {stable_mosaic.version = 14 : i64} {
  func.func @_scatter_body(%arg0: i32, %arg1: memref<128xi32, #tpu.memory_space<smem>>, %arg2: memref<1x128xi32, #tpu.memory_space<vmem>>, %arg3: memref<100000x128xf32, #tpu.memory_space<any>>, %arg4: memref<100000x128xf32, #tpu.memory_space<any>>, %arg5: memref<128x128xf32, #tpu.memory_space<vmem>>, %arg6: memref<!tpu.dma_semaphore, #tpu.memory_space<semaphore_mem>>) attributes {dimension_semantics = [#tpu.dimension_semantics<arbitrary>], iteration_bounds = array<i64: 1>, scalar_prefetch = 1 : i64, scratch_operands = 2 : i64, tpu.core_type = #tpu.core_type<tc>, window_params = [{pipeline_mode = #tpu.pipeline_mode<synchronous>, transform_indices = @transform_0, window_bounds = array<i64: 1, 128>}, {}, {}]} {
    %get3A = arith.constant 0 : index
    %get3A_0 = arith.constant 0 : index
    %get3A_1 = vector.load %arg2[%get3A, %get3A_0] : memref<1x128xi32, #tpu.memory_space<vmem>>, vector<1x128xi32>
    %scan3A = arith.constant 0 : i32
    %scan3A_2 = arith.constant 128 : i32
    %scan3A_3 = arith.addi %scan3A, %scan3A_2 : i32
    %scan3A_4 = arith.constant 1 : i32
    scf.for %scan3A_13 = %scan3A to %scan3A_3 step %scan3A_4  : i32 {
      %get3A_14 = arith.index_cast %scan3A_13 : i32 to index
      %get3A_15 = memref.load %arg1[%get3A_14] : memref<128xi32, #tpu.memory_space<smem>>
      %eq3A = vector.broadcast %get3A_15 : i32 to vector<1x128xi32>
      %eq3A_16 = arith.cmpi eq, %get3A_1, %eq3A : vector<1x128xi32>
      %convert_element_type3A = arith.extui %eq3A_16 : vector<1x128xi1> to vector<1x128xi32>
      %convert_element_type3A_17 = arith.sitofp %convert_element_type3A : vector<1x128xi32> to vector<1x128xf32>
      %swap3A = arith.index_cast %scan3A_13 : i32 to index
      %swap3A_18 = arith.constant 0 : index
      %swap3A_19 = vector.load %arg5[%swap3A, %swap3A_18] : memref<128x128xf32, #tpu.memory_space<vmem>>, vector<1x128xf32>
      tpu.vector_store %arg5[%swap3A, %swap3A_18], %convert_element_type3A_17 {strides = array<i32>} : memref<128x128xf32, #tpu.memory_space<vmem>>, vector<1x128xf32>,
    }
    %scan3A_5 = arith.constant 128 : i32
    %scan3A_6 = arith.constant 0 : i32
    %scan3A_7 = arith.constant 128 : i32
    %scan3A_8 = arith.addi %scan3A_6, %scan3A_7 : i32
    %scan3A_9 = arith.constant 1 : i32
    scf.for %scan3A_13 = %scan3A_6 to %scan3A_8 step %scan3A_9  : i32 {
      %get3A_14 = arith.index_cast %scan3A_13 : i32 to index
      %get3A_15 = memref.load %arg1[%get3A_14] : memref<128xi32, #tpu.memory_space<smem>>
      %dma_start3A = arith.constant 0 : i32
      %dma_start3A_16 = tpu.memref_slice %arg4[%get3A_15, %dma_start3A] : memref<100000x128xf32, #tpu.memory_space<any>> -> memref<1x128xf32, #tpu.memory_space<any>>
      %dma_start3A_17 = arith.constant 0 : i32
      %dma_start3A_18 = tpu.memref_slice %arg5[%scan3A_13, %dma_start3A_17] : memref<128x128xf32, #tpu.memory_space<vmem>> -> memref<1x128xf32, #tpu.memory_space<vmem>>
      tpu.enqueue_dma source(%dma_start3A_18 : memref<1x128xf32, #tpu.memory_space<vmem>>) target(%dma_start3A_16 : memref<1x128xf32, #tpu.memory_space<any>>) target_semaphore(%arg6 : memref<!tpu.dma_semaphore, #tpu.memory_space<semaphore_mem>>)
    }
    %scan3A_10 = arith.constant 128 : i32
    %dma_wait3A = arith.constant 0 : i32
    %dma_wait3A_11 = arith.constant 0 : i32
    %dma_wait3A_12 = tpu.memref_slice %arg4[%dma_wait3A, %dma_wait3A_11] : memref<100000x128xf32, #tpu.memory_space<any>> -> memref<128x128xf32, #tpu.memory_space<any>>
    tpu.wait_dma2 semaphore(%arg6 : memref<!tpu.dma_semaphore, #tpu.memory_space<semaphore_mem>>) src(%dma_wait3A_12 : memref<128x128xf32, #tpu.memory_space<any>>) dst(%arg5 : memref<128x128xf32, #tpu.memory_space<vmem>>)
    return
  }
  func.func @transform_0(%arg0: i32, %arg1: memref<128xi32, #tpu.memory_space<smem>>) -> (i32, i32) {
    %c0_i32 = arith.constant 0 : i32
    %c0_i32_0 = arith.constant 0 : i32
    %c0_i32_1 = arith.constant 0 : i32
    return %c0_i32, %c0_i32_0 : i32, i32
  }
}

module attributes {stable_mosaic.version = 14 : i64} {
  func.func @_reduce_body(%arg0: i32, %arg1: memref<8192x128xf32, #tpu.memory_space<vmem>>, %arg2: memref<8192x128xf32, #tpu.memory_space<vmem>>, %arg3: memref<1x128xi32, #tpu.memory_space<vmem>>, %arg4: memref<1x128xf32, #tpu.memory_space<vmem>>) attributes {dimension_semantics = [#tpu.dimension_semantics<arbitrary>], iteration_bounds = array<i64: 13>, scalar_prefetch = 0 : i64, scratch_operands = 1 : i64, tpu.core_type = #tpu.core_type<tc>, window_params = [{transform_indices = @transform_0, window_bounds = array<i64: 8192, 128>}, {transform_indices = @transform_1, window_bounds = array<i64: 8192, 128>}, {pipeline_mode = #tpu.pipeline_mode<synchronous>, transform_indices = @transform_2, window_bounds = array<i64: 1, 128>}]} {
    %get3A = arith.constant 0 : index
    %get3A_0 = arith.constant 0 : index
    %get3A_1 = vector.load %arg1[%get3A, %get3A_0] : memref<8192x128xf32, #tpu.memory_space<vmem>>, vector<8192x128xf32>
    %get3A_2 = arith.constant 0 : index
    %get3A_3 = arith.constant 0 : index
    %get3A_4 = vector.load %arg2[%get3A_2, %get3A_3] : memref<8192x128xf32, #tpu.memory_space<vmem>>, vector<8192x128xf32>
    %add3A = arith.constant 1.000000e-10 : f32
    %add3A_5 = vector.broadcast %add3A : f32 to vector<8192x128xf32>
    %add3A_6 = arith.addf %get3A_4, %add3A_5 : vector<8192x128xf32>
    %log3A = math.log %add3A_6 : vector<8192x128xf32>
    %neg3A = arith.constant 0.000000e+00 : f32
    %neg3A_7 = vector.broadcast %neg3A : f32 to vector<8192x128xf32>
    %neg3A_8 = arith.subf %neg3A_7, %log3A : vector<8192x128xf32>
    %add3A_9 = arith.constant 1.000000e-10 : f32
    %add3A_10 = vector.broadcast %add3A_9 : f32 to vector<8192x128xf32>
    %add3A_11 = arith.addf %neg3A_8, %add3A_10 : vector<8192x128xf32>
    %log3A_12 = math.log %add3A_11 : vector<8192x128xf32>
    %sub3A = arith.subf %get3A_1, %log3A_12 : vector<8192x128xf32>
    %iota3A = tpu.iota {dimensions = array<i32: 0>} : vector<8192x128xi32>
    %mul3A = arith.constant 8192 : i32
    %mul3A_13 = arith.muli %arg0, %mul3A : i32
    %add3A_14 = vector.broadcast %mul3A_13 : i32 to vector<8192x128xi32>
    %add3A_15 = arith.addi %iota3A, %add3A_14 : vector<8192x128xi32>
    %lt3A = arith.constant 100000 : i32
    %lt3A_16 = vector.broadcast %lt3A : i32 to vector<8192x128xi32>
    %lt3A_17 = arith.cmpi slt, %add3A_15, %lt3A_16 : vector<8192x128xi32>
    %jit3A = arith.constant 0xFF800000 : f32
    %broadcast_in_dim3A = vector.broadcast %jit3A : f32 to vector<8192x128xf32>
    %select_n3A = arith.select %lt3A_17, %sub3A, %broadcast_in_dim3A : vector<8192x128xi1>, vector<8192x128xf32>
    %reduce_max3A = arith.constant dense<0xFF800000> : vector<128xf32>
    %reduce_max3A_18 = vector.multi_reduction <maximumf>, %select_n3A, %reduce_max3A [0] : vector<8192x128xf32> to vector<128xf32>
    %broadcast_in_dim3A_19 = vector.shape_cast %reduce_max3A_18 : vector<128xf32> to vector<1x128xf32>
    %eq3A = vector.broadcast %broadcast_in_dim3A_19 : vector<1x128xf32> to vector<8192x128xf32>
    %eq3A_20 = arith.cmpf oeq, %select_n3A, %eq3A : vector<8192x128xf32>
    %jit3A_21 = arith.constant 100000 : i32
    %broadcast_in_dim3A_22 = vector.broadcast %jit3A_21 : i32 to vector<8192x128xi32>
    %select_n3A_23 = arith.select %eq3A_20, %add3A_15, %broadcast_in_dim3A_22 : vector<8192x128xi1>, vector<8192x128xi32>
    %reduce_min3A = arith.constant dense<2147483647> : vector<128xi32>
    %reduce_min3A_24 = vector.multi_reduction <minsi>, %select_n3A_23, %reduce_min3A [0] : vector<8192x128xi32> to vector<128xi32>
    %broadcast_in_dim3A_25 = vector.shape_cast %reduce_min3A_24 : vector<128xi32> to vector<1x128xi32>
    %eq3A_26 = arith.constant 0 : i32
    %eq3A_27 = arith.cmpi eq, %arg0, %eq3A_26 : i32
    %convert_element_type3A = arith.extui %eq3A_27 : i1 to i32
    %cond3A = arith.constant 0 : i32
    %cond3A_28 = arith.cmpi ne, %convert_element_type3A, %cond3A : i32
    scf.if %cond3A_28 {
      %swap3A = arith.constant 0 : index
      %swap3A_33 = arith.constant 0 : index
      %swap3A_34 = vector.load %arg4[%swap3A, %swap3A_33] : memref<1x128xf32, #tpu.memory_space<vmem>>, vector<1x128xf32>
      tpu.vector_store %arg4[%swap3A, %swap3A_33], %broadcast_in_dim3A_19 {strides = array<i32>} : memref<1x128xf32, #tpu.memory_space<vmem>>, vector<1x128xf32>,
      %swap3A_35 = arith.constant 0 : index
      %swap3A_36 = arith.constant 0 : index
      %swap3A_37 = vector.load %arg3[%swap3A_35, %swap3A_36] : memref<1x128xi32, #tpu.memory_space<vmem>>, vector<1x128xi32>
      tpu.vector_store %arg3[%swap3A_35, %swap3A_36], %broadcast_in_dim3A_25 {strides = array<i32>} : memref<1x128xi32, #tpu.memory_space<vmem>>, vector<1x128xi32>,
    } else {
    }
    %ne3A = arith.constant 0 : i32
    %ne3A_29 = arith.cmpi ne, %arg0, %ne3A : i32
    %convert_element_type3A_30 = arith.extui %ne3A_29 : i1 to i32
    %cond3A_31 = arith.constant 0 : i32
    %cond3A_32 = arith.cmpi ne, %convert_element_type3A_30, %cond3A_31 : i32
    scf.if %cond3A_32 {
      %get3A_33 = arith.constant 0 : index
      %get3A_34 = arith.constant 0 : index
      %get3A_35 = vector.load %arg4[%get3A_33, %get3A_34] : memref<1x128xf32, #tpu.memory_space<vmem>>, vector<1x128xf32>
      %gt3A = arith.cmpf ogt, %broadcast_in_dim3A_19, %get3A_35 : vector<1x128xf32>
      %get3A_36 = arith.constant 0 : index
      %get3A_37 = arith.constant 0 : index
      %get3A_38 = vector.load %arg4[%get3A_36, %get3A_37] : memref<1x128xf32, #tpu.memory_space<vmem>>, vector<1x128xf32>
      %select_n3A_39 = arith.select %gt3A, %broadcast_in_dim3A_19, %get3A_38 : vector<1x128xi1>, vector<1x128xf32>
      %swap3A = arith.constant 0 : index
      %swap3A_40 = arith.constant 0 : index
      %swap3A_41 = vector.load %arg4[%swap3A, %swap3A_40] : memref<1x128xf32, #tpu.memory_space<vmem>>, vector<1x128xf32>
      tpu.vector_store %arg4[%swap3A, %swap3A_40], %select_n3A_39 {strides = array<i32>} : memref<1x128xf32, #tpu.memory_space<vmem>>, vector<1x128xf32>,
      %get3A_42 = arith.constant 0 : index
      %get3A_43 = arith.constant 0 : index
      %get3A_44 = vector.load %arg3[%get3A_42, %get3A_43] : memref<1x128xi32, #tpu.memory_space<vmem>>, vector<1x128xi32>
      %select_n3A_45 = arith.select %gt3A, %broadcast_in_dim3A_25, %get3A_44 : vector<1x128xi1>, vector<1x128xi32>
      %swap3A_46 = arith.constant 0 : index
      %swap3A_47 = arith.constant 0 : index
      %swap3A_48 = vector.load %arg3[%swap3A_46, %swap3A_47] : memref<1x128xi32, #tpu.memory_space<vmem>>, vector<1x128xi32>
      tpu.vector_store %arg3[%swap3A_46, %swap3A_47], %select_n3A_45 {strides = array<i32>} : memref<1x128xi32, #tpu.memory_space<vmem>>, vector<1x128xi32>,
    } else {
    }
    return
  }
  func.func @transform_0(%arg0: i32) -> (i32, i32) {
    %c0_i32 = arith.constant 0 : i32
    %c0_i32_0 = arith.constant 0 : i32
    return %arg0, %c0_i32 : i32, i32
  }
  func.func @transform_1(%arg0: i32) -> (i32, i32) {
    %c0_i32 = arith.constant 0 : i32
    %c0_i32_0 = arith.constant 0 : i32
    return %arg0, %c0_i32 : i32, i32
  }
  func.func @transform_2(%arg0: i32) -> (i32, i32) {
    %c0_i32 = arith.constant 0 : i32
    %c0_i32_0 = arith.constant 0 : i32
    %c0_i32_1 = arith.constant 0 : i32
    return %c0_i32, %c0_i32_0 : i32, i32
  }
}

</mosaic_0001>

<sc_bundles>
// kernel: kernel.5.cloned.1.call-start
scs
__scs_entry_jumppad:
0x0: {  	(pc) =	sbr.rel $0x88, $3  }
0x1: {  	(tag) =	ssettag $0x0;
	lr =	simm.s32 $0x1  }
0x2: {  	[smem:$0x3F9F] =	sst lr;
	_ =	strace $0xD0000000  }
0x3: {  	_ = 	snop  }
0x4: {  	_ = 	snop  }
0x5: {  	_ = 	snop  }
0x6: {  	_ = 	snop  }
0x7: {  	_ = 	snop  }
__scs_overlays_trampoline_lowered:
0x8: {  	[smem:$0x3FAE] =	sst s0  }
0x9: {  	[smem:$0x3FAF] =	sst s1  }
0xa: {  	[smem:$0x3FB0] =	sst s2  }
0xb: {  	[smem:$0x3FB1] =	sst s3  }
0xc: {  	[smem:$0x3FB2] =	sst s4  }
0xd: {  	[smem:$0x3FB3] =	sst s5  }
0xe: {  	[smem:$0x3FB4] =	sst s6  }
0xf: {  	[smem:$0x3FB5] =	sst s7  }
0x10: {  	[smem:$0x3FB6] =	sst s8  }
0x11: {  	[smem:$0x3FB7] =	sst s9;
	s0 =	simm.s32 @!p0 $0x0  }
0x12: {  	s1 =	sld [smem:$0x3F9D];
	s0 =	simm.s32 @p0 $0x1  }
0x13: {  	[smem:$0x3FB8] =	sst s0;
	s0 =	simm.s32 @!p1 $0x0  }
0x14: {  	s2 =	sld [smem:$0x3F9C];
	s0 =	simm.s32 @p1 $0x1  }
0x15: {  	[smem:$0x3FB9] =	sst s0;
	s0 =	simm.s32 @!p2 $0x0  }
0x16: {  	s3 =	sld [smem:$0x3FDB];
	s0 =	simm.s32 @p2 $0x1  }
0x17: {  	s4 =	simm.s32 $0x1BF5;
	[smem:$0x3FBB] =	sst s0  }
0x18: {  	s0 =	sld [smem:$0x3F9E];
	_ =	swait.ge [sflag:s4], $0x0  }
0x19: {  	s7 =	sld [smem:$0x3F9F]  }
0x1a: {  	s8 =	sadd.s32 $0xFFFFE003, lr  }
0x1b: {  	s9 =	sadd.s32 $0xFFFFFEF7, lr;
	s5 =	simm.s32 $0xFFFFFFFF;
	p2 =	slt.u32 s8, $0xFFFFF086  }
0x1c: {  	p1 =	slt.u32 s9, $0xF7A;
	s5 =	simm.s32 @!p2 $0x0  }
0x1d: {  	s5 =	simm.s32 @p1 $0x1;
	p0 =	seq.s32 s7, s2  }
0x1e: {  	s7 =	smul.u32 @!p0 $0xF7A, s2;
	p2 =	seq.s32 @!p0 s5, $0x0  }
0x1f: {  	s9 =	smul.u32 $0xF7A, s1;
	s8 =	simm.s32 @!p0 $0x1BF5;
	p2 =	por !p2, p0  }
0x20: {  	[sflag:s8] =	ssyncset.s32 @!p0 $0xFFFFF086;
	s6 =	sadd.s32 @!p0 s3, s7;
	s7 =	simm.s32 @!p0 $0x108  }
0x21: {  	s3 =	sadd.s32 s3, s9;
	s6 =	sadd.s32 @!p0 $0x88, s6;
	s7 =	simm.s32 @p2 $0x1082  }
0x22: {  	[simem:s7], [sflag:s8] =	dma.local @!p0 [hbm:s6], $0xF7A  }
0x23: {  	s9 =	sor.u32 $0xD0000000, s2;
	s6 =	simm.s32 $0x108;
	_ =	swait.ge @!p0 [sflag:s8], $0x0  }
0x24: {  	s3 =	sadd.s32 $0x88, s3;
	s6 =	simm.s32 @!p1 $0x1082;
	[sflag:s4] =	ssyncset.s32 $0xFFFFF086  }
0x25: {  	[simem:s6], [sflag:s4] =	dma.local [hbm:s3], $0xF7A  }
0x26: {  	[smem:$0x3F9F] =	sst s1;
	(tag) =	ssettag s2;
	_ =	strace s9  }
0x27: {  	s1 =	sld [smem:$0x3FAF]  }
0x28: {  	s2 =	sld [smem:$0x3FB0]  }
0x29: {  	s4 =	sld [smem:$0x3FB2]  }
0x2a: {  	p0 =	seq.s32 s5, $0x0;
	s5 =	sld [smem:$0x3FB3]  }
0x2b: {  	s6 =	sld [smem:$0x3FB4]  }
0x2c: {  	s7 =	sld [smem:$0x3FB5]  }
0x2d: {  	s3 =	simm.s32 $0x108;
	s8 =	sld [smem:$0x3FB6]  }
0x2e: {  	s3 =	simm.s32 @!p0 $0x1082;
	s9 =	sld [smem:$0x3FB7]  }
0x2f: {  	lr =	sadd.s32 s0, s3;
	s0 =	sld [smem:$0x3FAE]  }
0x30: {  	s3 =	sld [smem:$0x3FB1]  }
0x31: {  	[smem:$0x3FBA] =	sst s10  }
0x32: {  	s10 =	sld [smem:$0x3FB8];
	_ =	sdelay $0x3  }
0x33: {  	p0 =	seq.s32 s10, $0x1;
	s10 =	sld [smem:$0x3FBA];
	_ =	sdelay $0x3  }
0x34: {  	[smem:$0x3FBA] =	sst s10  }
0x35: {  	s10 =	sld [smem:$0x3FB9];
	_ =	sdelay $0x3  }
0x36: {  	p1 =	seq.s32 s10, $0x1;
	s10 =	sld [smem:$0x3FBA];
	_ =	sdelay $0x3  }
0x37: {  	[smem:$0x3FBA] =	sst s10  }
0x38: {  	s10 =	sld [smem:$0x3FBB]  }
0x39: {  	_ = 	snop;
	(pc) =	sbr.ind lr, $3  }
0x3a: {  	_ = 	snop  }
0x3b: {  	_ = 	snop  }
0x3c: {  	p2 =	seq.s32 s10, $0x1;
	s10 =	sld [smem:$0x3FBA]  }
0x3d: {  	_ =	shalt  }
0x3e: {  	_ =	shalt  }
0x3f: {  	_ =	shalt  }
0x40: {  	_ =	shalt  }
0x41: {  	_ =	shalt  }
0x42: {  	_ =	shalt  }
0x43: {  	_ =	shalt  }
0x44: {  	_ =	shalt  }
0x45: {  	_ =	shalt  }
0x46: {  	_ =	shalt  }
0x47: {  	_ =	shalt  }
0x48: {  	_ =	shalt  }
0x49: {  	_ =	shalt  }
0x4a: {  	_ =	shalt  }
0x4b: {  	_ =	shalt  }
0x4c: {  	_ =	shalt  }
0x4d: {  	_ =	shalt  }
0x4e: {  	_ =	shalt  }
0x4f: {  	_ =	shalt  }
0x50: {  	_ =	shalt  }
0x51: {  	_ =	shalt  }
0x52: {  	_ =	shalt  }
0x53: {  	_ =	shalt  }
0x54: {  	_ =	shalt  }
0x55: {  	_ =	shalt  }
0x56: {  	_ =	shalt  }
0x57: {  	_ =	shalt  }
0x58: {  	_ =	shalt  }
0x59: {  	_ =	shalt  }
0x5a: {  	_ =	shalt  }
0x5b: {  	_ =	shalt  }
0x5c: {  	_ =	shalt  }
0x5d: {  	_ =	shalt  }
0x5e: {  	_ =	shalt  }
0x5f: {  	_ =	shalt  }
0x60: {  	_ =	shalt  }
0x61: {  	_ =	shalt  }
0x62: {  	_ =	shalt  }
0x63: {  	_ =	shalt  }
0x64: {  	_ =	shalt  }
0x65: {  	_ =	shalt  }
0x66: {  	_ =	shalt  }
0x67: {  	_ =	shalt  }
0x68: {  	_ =	shalt  }
0x69: {  	_ =	shalt  }
0x6a: {  	_ =	shalt  }
0x6b: {  	_ =	shalt  }
0x6c: {  	_ =	shalt  }
0x6d: {  	_ =	shalt  }
0x6e: {  	_ =	shalt  }
0x6f: {  	_ =	shalt  }
0x70: {  	_ =	shalt  }
0x71: {  	_ =	shalt  }
0x72: {  	_ =	shalt  }
0x73: {  	_ =	shalt  }
0x74: {  	_ =	shalt  }
0x75: {  	_ =	shalt  }
0x76: {  	_ =	shalt  }
0x77: {  	_ =	shalt  }
0x78: {  	_ =	shalt  }
0x79: {  	_ =	shalt  }
0x7a: {  	_ =	shalt  }
0x7b: {  	_ =	shalt  }
0x7c: {  	_ =	shalt  }
0x7d: {  	_ =	shalt  }
0x7e: {  	_ =	shalt  }
0x7f: {  	_ =	shalt  }
0x80: {  	_ =	shalt  }
0x81: {  	_ =	shalt  }
0x82: {  	_ =	shalt  }
0x83: {  	_ =	shalt  }
0x84: {  	_ =	shalt  }
0x85: {  	_ =	shalt  }
0x86: {  	_ =	shalt  }
0x87: {  	_ =	shalt  }
.Lfunc_end0:
.L_simem_size_0:
called_computation_lowered:
.L_overlay_start_0:
0x88: {  	s2 =	sld [smem:$0x3FD9]  }
0x89: {  	s3 =	sld [smem:$0x3FFE];
	_ =	sdelay $0x1  }
0x8a: {  	s1 =	srdreg.scid  }
0x8b: {  	s0 =	sand.u32 $0x1, s1  }
0x8c: {  	s18 =	sshll.u32 s0, $0xA;
	s2 =	sadd.s32 s3, s2  }
0x8d: {  	s2 =	sadd.s32 s2, s18  }
0x8e: {  	[smem:$0x3FC6] =	sst s2  }
0x8f: {  	_ = 	snop  }
0x90: {  	s2 =	sld [smem:$0x3FD0];
	(tm) =	ssettm $0x1  }
0x91: {  	s19 =	sld [smem:$0x3FFB];
	_ =	sdelay $0x3  }
0x92: {  	_ =	strace s19  }
0x93: {  	s3 =	sld [smem:$0x3FFC];
	_ =	sdelay $0x3  }
0x94: {  	_ =	strace s3  }
0x95: {  	s3 =	sld [smem:$0x3FFD];
	_ =	sdelay $0x3  }
0x96: {  	_ =	strace s3  }
0x97: {  	_ =	strace $0x8FFFFFFF  }
0x98: {  	s20 =	sld [smem:$0x3FDB];
	_ =	sdelay $0x1  }
0x99: {  	s4 =	simm.s32 $_scs_section_size  }
0x9a: {  	s5 =	simm.s32 $_size__tile_overlayer_lowered;
	s6 =	simm.s32 $_tile_overlayer_lowered  }
0x9b: {  	s23 =	simm.s32 $0x1BFF;
	s22 =	sshll.u32 s6, $0x1;
	s3 =	sadd.s32 s4, s20  }
0x9c: {  	s7 =	simm.s32 $0x0;
	s21 =	sshll.u32 s5, $0x1;
	s5 =	sadd.s32 s22, s3  }
0x9d: {  	[timem:s7], [sflag:s23] =	dma.local [hbm:s5], s21  }
0x9e: {  	_ =	swait.ge [sflag:s23], s21  }
0x9f: {  	s4 =	ssub.s32 $0x0, s21;
	[sflag:s23] =	ssyncset.done $0x0  }
0xa0: {  	[sflag:s23] =	ssyncadd.s32 s4;
	_ =	sdelay $0x1  }
0xa1: {  	s24 =	simm.s32 $0x1B8B  }
0xa2: {  	_ =	swait.ge [sflag:s24], $0x1  }
0xa3: {  	[sflag:s24] =	ssyncset.done $0x0  }
0xa4: {  	s25 =	simm.s32 $0x1B8E;
	[sflag:s24] =	ssyncadd.s32 $0xFFFFFFFF  }
0xa5: {  	s26 =	simm.s32 $execute0_lowered;
	[smem:$0x3FD2] =	sst s25  }
0xa6: {  	s4 =	sshll.u32 s26, $0x1;
	_ =	strace $0x80000046;
	[dreg:$0x1] =	wrdreg $0xFFFFFFFF  }
0xa7: {  	s28 =	simm.s32 $_size_execute0_lowered;
	s3 =	sadd.s32 s3, s4;
	[dreg:$0x0] =	wrdreg $0x0  }
0xa8: {  	s4 =	sshll.u32 s28, $0x1;
	[dreg:$0x2] =	wrdreg s3  }
0xa9: {  	[dreg:$0x3] =	wrdreg s4  }
0xaa: {  	[dreg:$0x4] =	wrdreg $0xC0  }
0xab: {  	_ =	task [dreg:s7], $0x5FFFF  }
0xac: {  	[dreg:$0x1] =	wrdreg $0xFFFFFFFF  }
0xad: {  	[dreg:$0x0] =	wrdreg $0x60  }
0xae: {  	[dreg:$0x2] =	wrdreg s2  }
0xaf: {  	[dreg:$0x3] =	wrdreg $0x9  }
0xb0: {  	_ =	task.clear_ibuf [dreg:s7], $0x4FFFF;
	_ =	strace $0x90000046  }
0xb1: {  	s29 =	simm.s32 $0x9;
	_ =	strace $0x80000048  }
0xb2: {  	_ =	swait.ge [sflag:s29], $0x1  }
0xb3: {  	[sflag:s29] =	ssyncadd.s32 $0xFFFFFFFF  }
0xb4: {  	_ =	strace $0x90000048  }
0xb5: {  	_ =	sfence  }
0xb6: {  	s30 =	sld [smem:$0x0];
	_ =	sdelay $0x2  }
0xb7: {  	s31 =	sshll.u32 s1, $0xD;
	s1 =	sshrl.u32 s1, $0x2  }
0xb8: {  	s3 =	sand.u32 $0x4000, s31;
	s1 =	sadd.s32 s1, s30  }
0xb9: {  	s0 =	sor.u32 s3, s0;
	s1 =	sshll.u32 s1, $0x11  }
0xba: {  	s0 =	sor.u32 s1, s0  }
0xbb: {  	s0 =	sadd.s32 $0x8F2B, s0  }
0xbc: {  	[sflag:s0] =	ssyncadd.remote.s32 $0x1  }
0xbd: {  	_ =	sfence.sel $0xFFFF  }
0xbe: {  	[dreg:$0x0] =	wrdreg $0xFFFFFFFF;
	(pc) =	sbr.abs _section_cstart, $3  }
0xbf: {  	[dreg:$0x1] =	wrdreg $0xFFFFFFFF  }
0xc0: {  	_ =	task.clear_ibuf [dreg:s7], $0x2FFFF;
	_ =	strace $0x9FFFFFFF  }
0xc1: {  	(tm) =	ssettm $0x7FFFFFFF  }
tec
execute0_lowered:
.L_overlay_start_1:
0x0: {  	(tag) =	ssettag $0x1  }
0x1: {  	s1 =	srdreg.scid;
	s0 =	stileid.u32  }
0x2: {  	s3 =	sand.u32 $0x1, s1;
	s31 =	sshll.u32 s0, $0x1  }
0x3: {  	s4 =	rddreg [dreg:$0x0];
	s2 =	simm.s32 $0x0;
	s1 =	sor.u32 s3, s31  }
0x4: {  	s14 =	simm.s32 $0x1;
	s3 =	ssub.s32 $0x2, s3;
	s5 =	smul.u32 $0x61A80, s1  }
0x5: {  	s15 =	simm.s32 $0x0;
	[smem:$0x7FF] =	sst s2;
	s6 =	sshrl.u32 s3, $0x1  }
0x6: {  	s1 =	rddreg [dreg:$0x1];
	s13 =	ssub.s32 s3, s6;
	s5 =	sshrl.u32 s5, $0x3  }
0x7: {  	_ =	strace $0x80000047;
	s13 =	smax.u32 s13, $0x1;
	s3 =	sadd.s32 s4, s5  }
0x8: {  	s4 =	sadd.s32 $0x1388, s3;
	s5 =	sadd.s32 $0x2710, s3;
	s6 =	sadd.s32 $0x3A98, s3  }
0x9: {  	s7 =	sadd.s32 $0x4E20, s3;
	s8 =	sadd.s32 $0x61A8, s3;
	s9 =	sadd.s32 $0x7530, s3  }
0xa: {  	v0 =	vimm.f32 $0.0e+00;
	s10 =	sadd.s32 $0x88B8, s3;
	s11 =	sadd.s32 $0x9C40, s3;
	s12 =	sadd.s32 $0xAFC8, s3  }
.LBB2_1:
0xb: {  	s16 =	simm.s32 $0x40;
	s17 =	simm.s32 $0x0  }
.LBB2_2:
0xc: {  	p0 =	sne.s32 s16, $0x270C0;
	[tilespmem:s17+$0x0] =	vst v0;
	s17 =	smov.u32 s16;
	s16 =	sadd.s32 $0x40, s16  }
.Ltmp0:
0xd: {  	(pc) =	sbr.rel @p0 .LBB2_2-.Ltmp0, $2  }
0xe: {  	_ =	sdelay $0x2  }
0xf: {  	s17 =	sshra.s32 s17, $0x2  }
0x10: {  	[tilespmem:s17+$0x0] =	vst v0  }
0x11: {  	[hbm4b:s3+s2] =	stream.linear.scatter [tilespmem:s2], [sflag:$0x1], $0x9C40, $0x38;
	[tilespmem:$0x9C80] =	vst v63  }
0x12: {  	_ = 	snop  }
0x13: {  	[hbm4b:s4+s2] =	stream.linear.scatter [tilespmem:s2], [sflag:$0x1], $0x9C40, $0x38;
	[tilespmem:$0x9C80] =	vst v63  }
0x14: {  	_ = 	snop  }
0x15: {  	[hbm4b:s5+s2] =	stream.linear.scatter [tilespmem:s2], [sflag:$0x1], $0x9C40, $0x38;
	[tilespmem:$0x9C80] =	vst v63  }
0x16: {  	_ = 	snop  }
0x17: {  	[hbm4b:s6+s2] =	stream.linear.scatter [tilespmem:s2], [sflag:$0x1], $0x9C40, $0x38;
	[tilespmem:$0x9C80] =	vst v63  }
0x18: {  	_ = 	snop  }
0x19: {  	[hbm4b:s7+s2] =	stream.linear.scatter [tilespmem:s2], [sflag:$0x1], $0x9C40, $0x38;
	[tilespmem:$0x9C80] =	vst v63  }
0x1a: {  	_ = 	snop  }
0x1b: {  	[hbm4b:s8+s2] =	stream.linear.scatter [tilespmem:s2], [sflag:$0x1], $0x9C40, $0x38;
	[tilespmem:$0x9C80] =	vst v63  }
0x1c: {  	_ = 	snop  }
0x1d: {  	[hbm4b:s9+s2] =	stream.linear.scatter [tilespmem:s2], [sflag:$0x1], $0x9C40, $0x38;
	[tilespmem:$0x9C80] =	vst v63  }
0x1e: {  	_ = 	snop  }
0x1f: {  	[hbm4b:s10+s2] =	stream.linear.scatter [tilespmem:s2], [sflag:$0x1], $0x9C40, $0x38;
	[tilespmem:$0x9C80] =	vst v63  }
0x20: {  	_ = 	snop  }
0x21: {  	[hbm4b:s11+s2] =	stream.linear.scatter [tilespmem:s2], [sflag:$0x1], $0x9C40, $0x38;
	[tilespmem:$0x9C80] =	vst v63  }
0x22: {  	_ = 	snop  }
0x23: {  	[hbm4b:s12+s2] =	stream.linear.scatter [tilespmem:s2], [sflag:$0x1], $0x9C40, $0x38;
	[tilespmem:$0x9C80] =	vst v63  }
0x24: {  	_ =	swait.ge [sflag:s14], $0x9C40  }
0x25: {  	[sflag:s14] =	ssyncset.done $0x0  }
0x26: {  	[sflag:s14] =	ssyncadd.s32 $0xFFFF63C0  }
0x27: {  	_ =	swait.ge [sflag:s14], $0x9C40  }
0x28: {  	[sflag:s14] =	ssyncset.done $0x0  }
0x29: {  	[sflag:s14] =	ssyncadd.s32 $0xFFFF63C0  }
0x2a: {  	_ =	swait.ge [sflag:s14], $0x9C40  }
0x2b: {  	[sflag:s14] =	ssyncset.done $0x0  }
0x2c: {  	[sflag:s14] =	ssyncadd.s32 $0xFFFF63C0  }
0x2d: {  	_ =	swait.ge [sflag:s14], $0x9C40  }
0x2e: {  	[sflag:s14] =	ssyncset.done $0x0  }
0x2f: {  	[sflag:s14] =	ssyncadd.s32 $0xFFFF63C0  }
0x30: {  	_ =	swait.ge [sflag:s14], $0x9C40  }
0x31: {  	[sflag:s14] =	ssyncset.done $0x0  }
0x32: {  	[sflag:s14] =	ssyncadd.s32 $0xFFFF63C0  }
0x33: {  	_ =	swait.ge [sflag:s14], $0x9C40  }
0x34: {  	[sflag:s14] =	ssyncset.done $0x0  }
0x35: {  	[sflag:s14] =	ssyncadd.s32 $0xFFFF63C0  }
0x36: {  	_ =	swait.ge [sflag:s14], $0x9C40  }
0x37: {  	[sflag:s14] =	ssyncset.done $0x0  }
0x38: {  	[sflag:s14] =	ssyncadd.s32 $0xFFFF63C0  }
0x39: {  	_ =	swait.ge [sflag:s14], $0x9C40  }
0x3a: {  	[sflag:s14] =	ssyncset.done $0x0  }
0x3b: {  	s15 =	sadd.s32 $0x1, s15;
	[sflag:s14] =	ssyncadd.s32 $0xFFFF63C0  }
0x3c: {  	p0 =	sne.s32 s15, s13;
	_ =	swait.ge [sflag:s14], $0x9C40  }
.Ltmp1:
0x3d: {  	[sflag:s14] =	ssyncset.done $0x0;
	(pc) =	sbr.rel @p0 .LBB2_1-.Ltmp1, $4  }
0x3e: {  	[sflag:s14] =	ssyncadd.s32 $0xFFFF63C0  }
0x3f: {  	_ =	swait.ge [sflag:s14], $0x9C40  }
0x40: {  	[sflag:s14] =	ssyncset.done $0x0  }
0x41: {  	[sflag:s14] =	ssyncadd.s32 $0xFFFF63C0  }
0x42: {  	_ =	sfence.sel $0x180000  }
0x43: {  	[bflag:$0x0] =	sbarrier.arrive $0xFFFF  }
0x44: {  	p0 =	sne.s32 s0, $0x0;
	_ =	strace $0x90000047  }
0x45: {  	s0 =	sadd.s32 @!p0 $0x100000, s1;
	[bflag:$0x2] =	sbarrier.arrive $0xFFFF  }
0x46: {  	[sflag:s0] =	ssyncadd.tile.s32 @!p0 $0x1;
	_ =	shalt  }
.Lfunc_end2:
_tile_overlayer_lowered:
.L_overlay_start_2:
0x47: {  	(tag) =	ssettag $0x2  }
0x48: {  	s0 =	rddreg [dreg:$0x0];
	s2 =	stileid.u32  }
0x49: {  	s1 =	rddreg [dreg:$0x1];
	p0 =	sne.s32 s2, $0x0  }
0x4a: {  	s3 =	rddreg [dreg:$0x2];
	[bflag:$0x3] =	sbarrier.arrive $0xFFFF;
	s2 =	simm.s32 @!p0 $0x1C02  }
0x4b: {  	[timem:s3], [sflag:s2] =	dma.local @!p0 [hbm:s0], s1  }
0x4c: {  	s0 =	simm.s32 @!p0 $0x2  }
0x4d: {  	_ =	swait.ge @!p0 [sflag:s0], s1  }
0x4e: {  	s1 =	ssub.s32 @!p0 $0x0, s1;
	[sflag:s0] =	ssyncset.done @!p0 $0x0  }
0x4f: {  	[sflag:s0] =	ssyncadd.s32 @!p0 s1  }
0x50: {  	[bflag:$0x3] =	sbarrier.arrive $0xFFFF  }
0x51: {  	_ =	shalt  }

</sc_bundles>
